<compile_context>
chip_gen: v7x
topology: tpu7x:2x2x1
jax: 0.10.2.dev20260603
libtpu: 0.0.44.dev20260713+nightly
codegen_flags: <defaults>
</compile_context>

<pallas_src>
import functools
import jax
import jax.numpy as jnp
from jax import lax
from jax.experimental import pallas as pl
from jax.experimental.pallas import tpu as pltpu
from jax.experimental.pallas import tpu_sc as plsc

N = 16384
C = 1000
NC = 2
NS = 16
NW = NC * NS
RPW = N // NW
ZW = 16000
NZ = RPW * C // ZW


def _sc_body(x_hbm, zc_hbm, out_hbm, idx_v, pos_v, ones_v, zbuf, sem_z, sem_s):
    wid = lax.axis_index("s") * NC + lax.axis_index("c")
    base_row = wid * RPW
    pltpu.sync_copy(x_hbm.at[pl.ds(base_row, RPW)], idx_v)
    pltpu.sync_copy(zc_hbm, zbuf)

    def fire(k, _):
        start = (base_row * C) + k * ZW
        pltpu.async_copy(zbuf, out_hbm.at[pl.ds(start, ZW)], sem_z)
        return 0

    lax.fori_loop(0, NZ, fire, 0)

    lane = lax.iota(jnp.int32, 16)
    ones16 = jnp.ones((16,), jnp.int32)

    def mkpos(j, _):
        r = j * 16 + lane
        pos = (base_row + r) * C + idx_v[pl.ds(j * 16, 16)]
        pos_v[j // 8, pl.ds((j % 8) * 16, 16)] = pos
        return 0

    lax.fori_loop(0, RPW // 16, mkpos, 0)

    def mkones(j, _):
        ones_v[pl.ds(j * 16, 16)] = ones16
        return 0

    lax.fori_loop(0, 8, mkones, 0)

    def drain(k, _):
        pltpu.make_async_copy(zbuf, out_hbm.at[pl.ds(0, ZW)], sem_z).wait()
        return 0

    lax.fori_loop(0, NZ, drain, 0)

    for j in range(4):
        pltpu.async_copy(ones_v, out_hbm.at[pos_v.at[j]], sem_s)
    for j in range(4):
        pltpu.make_async_copy(ones_v, out_hbm.at[pos_v.at[0]], sem_s).wait()


def kernel(x):
    x32 = x.astype(jnp.int32)
    zc = jnp.zeros((ZW,), jnp.int32)
    mesh = plsc.VectorSubcoreMesh(core_axis_name="c", subcore_axis_name="s")
    run = functools.partial(
        pl.kernel,
        mesh=mesh,
        compiler_params=pltpu.CompilerParams(
            use_tc_tiling_on_sc=False, needs_layout_passes=False
        ),
        out_type=jax.ShapeDtypeStruct((N * C,), jnp.int32),
        scratch_types=[
            pltpu.VMEM((RPW,), jnp.int32),
            pltpu.VMEM((4, 128), jnp.int32),
            pltpu.VMEM((128,), jnp.int32),
            pltpu.VMEM((ZW,), jnp.int32),
            pltpu.SemaphoreType.DMA,
            pltpu.SemaphoreType.DMA,
        ],
    )(_sc_body)
    return run(x32, zc).reshape(N, C)

# --- scband reference (transcript-rebuilt; emitter-appended) ---
"""Pipeline reference for scband-one-hot-encode-18047452578706 (READ-ONLY COPY).

The authoritative reference and input builder live on the scoring server;
editing this copy changes nothing except your own understanding.
"""

import jax, jax.numpy as jnp
import numpy as np

NUM_CLASSES = 1000

def setup_inputs(seed: int = 0) -> dict:
    key = jax.random.key(seed)
    x = jax.random.randint(key, (16384,), 0, NUM_CLASSES, dtype=jnp.int64 if jax.config.jax_enable_x64 else jnp.int32)
    return {"x": x}

def reference(x) -> jnp.ndarray:
    # Faithful translation of torch.nn.functional.one_hot(x, num_classes)
    # F.one_hot returns an integer tensor of shape x.shape + (num_classes,)
    out = (x[..., None] == jnp.arange(NUM_CLASSES, dtype=x.dtype)).astype(jnp.int32)
    return out

if __name__ == "__main__":
    import jax
    _d = setup_inputs()
    print(jax.jit(kernel)(*tuple(_d.values())))

</pallas_src>

<mosaic_0001>
#map = affine_map<(d0, d1) -> (0)>
module attributes {stable_mosaic.version = 14 : i64} {
  func.func @_sc_body(%arg0: i32, %arg1: i32, %arg2: memref<16384xi32, #tpu.memory_space<hbm>>, %arg3: memref<16000xi32, #tpu.memory_space<hbm>>, %arg4: memref<16384000xi32, #tpu.memory_space<hbm>>, %arg5: memref<512xi32, #tpu.memory_space<vmem>>, %arg6: memref<4x128xi32, #tpu.memory_space<vmem>>, %arg7: memref<128xi32, #tpu.memory_space<vmem>>, %arg8: memref<16000xi32, #tpu.memory_space<vmem>>, %arg9: memref<!tpu.dma_semaphore, #tpu.memory_space<semaphore_mem>>, %arg10: memref<!tpu.dma_semaphore, #tpu.memory_space<semaphore_mem>>) attributes {dimension_semantics = [#tpu.dimension_semantics<core_parallel>, #tpu.dimension_semantics<subcore_parallel>], iteration_bounds = array<i64: 2, 16>, scalar_prefetch = 0 : i64, scratch_operands = 6 : i64, tpu.core_type = #tpu.core_type<sc_vector_subcore>, window_params = [{transform_indices = #map}, {transform_indices = #map}, {transform_indices = #map}]} {
    %mul3A = arith.constant 2 : i32
    %mul3A_0 = arith.muli %arg1, %mul3A : i32
    %add3A = arith.addi %mul3A_0, %arg0 : i32
    %mul3A_1 = arith.constant 512 : i32
    %mul3A_2 = arith.muli %add3A, %mul3A_1 : i32
    "tpu.region"() ({
      %run_scoped3A = tpu.sem_alloc : memref<!tpu.dma_semaphore, #tpu.memory_space<semaphore_mem>>
      %dma_start3A_77 = tpu.memref_slice %arg2[%mul3A_2] : memref<16384xi32, #tpu.memory_space<hbm>> -> memref<512xi32, #tpu.memory_space<hbm>>
      %dma_start3A_78 = tpu.memref_slice %arg2[%mul3A_2] : memref<16384xi32, #tpu.memory_space<hbm>> -> memref<512xi32, #tpu.memory_space<hbm>>
      tpu.enqueue_dma source(%dma_start3A_78 : memref<512xi32, #tpu.memory_space<hbm>>) target(%arg5 : memref<512xi32, #tpu.memory_space<vmem>>) target_semaphore(%run_scoped3A : memref<!tpu.dma_semaphore, #tpu.memory_space<semaphore_mem>>)
      %dma_wait3A_79 = tpu.memref_slice %arg2[%mul3A_2] : memref<16384xi32, #tpu.memory_space<hbm>> -> memref<512xi32, #tpu.memory_space<hbm>>
      %dma_wait3A_80 = tpu.memref_slice %arg2[%mul3A_2] : memref<16384xi32, #tpu.memory_space<hbm>> -> memref<512xi32, #tpu.memory_space<hbm>>
      tpu.wait_dma2 semaphore(%run_scoped3A : memref<!tpu.dma_semaphore, #tpu.memory_space<semaphore_mem>>) src(%dma_wait3A_80 : memref<512xi32, #tpu.memory_space<hbm>>) dst(%arg5 : memref<512xi32, #tpu.memory_space<vmem>>)
      tpu.yield
    }) : () -> ()
    "tpu.region"() ({
      %run_scoped3A = tpu.sem_alloc : memref<!tpu.dma_semaphore, #tpu.memory_space<semaphore_mem>>
      tpu.enqueue_dma source(%arg3 : memref<16000xi32, #tpu.memory_space<hbm>>) target(%arg8 : memref<16000xi32, #tpu.memory_space<vmem>>) target_semaphore(%run_scoped3A : memref<!tpu.dma_semaphore, #tpu.memory_space<semaphore_mem>>)
      tpu.wait_dma2 semaphore(%run_scoped3A : memref<!tpu.dma_semaphore, #tpu.memory_space<semaphore_mem>>) src(%arg3 : memref<16000xi32, #tpu.memory_space<hbm>>) dst(%arg8 : memref<16000xi32, #tpu.memory_space<vmem>>)
      tpu.yield
    }) : () -> ()
    %scan3A = arith.constant 0 : i32
    %scan3A_3 = arith.constant 0 : i32
    %scan3A_4 = arith.constant 32 : i32
    %scan3A_5 = arith.addi %scan3A_3, %scan3A_4 : i32
    %scan3A_6 = arith.constant 1 : i32
    %scan3A_7 = scf.for %scan3A_77 = %scan3A_3 to %scan3A_5 step %scan3A_6 iter_args(%scan3A_78 = %scan3A) -> (i32)  : i32 {
      %mul3A_79 = arith.constant 1000 : i32
      %mul3A_80 = arith.muli %mul3A_2, %mul3A_79 : i32
      %mul3A_81 = arith.constant 16000 : i32
      %mul3A_82 = arith.muli %scan3A_77, %mul3A_81 : i32
      %add3A_83 = arith.addi %mul3A_80, %mul3A_82 : i32
      %dma_start3A_84 = tpu.memref_slice %arg4[%add3A_83] : memref<16384000xi32, #tpu.memory_space<hbm>> -> memref<16000xi32, #tpu.memory_space<hbm>>
      %dma_start3A_85 = tpu.memref_slice %arg4[%add3A_83] : memref<16384000xi32, #tpu.memory_space<hbm>> -> memref<16000xi32, #tpu.memory_space<hbm>>
      tpu.enqueue_dma source(%arg8 : memref<16000xi32, #tpu.memory_space<vmem>>) target(%dma_start3A_85 : memref<16000xi32, #tpu.memory_space<hbm>>) target_semaphore(%arg9 : memref<!tpu.dma_semaphore, #tpu.memory_space<semaphore_mem>>)
      %scan3A_86 = arith.constant 0 : i32
      scf.yield %scan3A_86 : i32
    }
    %scan3A_8 = arith.constant 32 : i32
    %iota3A = tpu.iota {dimensions = array<i32: 0>} : vector<16xi32>
    %broadcast_in_dim3A = arith.constant 1 : i32
    %broadcast_in_dim3A_9 = vector.broadcast %broadcast_in_dim3A : i32 to vector<16xi32>
    %scan3A_10 = arith.constant 0 : i32
    %scan3A_11 = arith.constant 0 : i32
    %scan3A_12 = arith.constant 32 : i32
    %scan3A_13 = arith.addi %scan3A_11, %scan3A_12 : i32
    %scan3A_14 = arith.constant 1 : i32
    %scan3A_15 = scf.for %scan3A_77 = %scan3A_11 to %scan3A_13 step %scan3A_14 iter_args(%scan3A_78 = %scan3A_10) -> (i32)  : i32 {
      %mul3A_79 = arith.constant 16 : i32
      %mul3A_80 = arith.muli %scan3A_77, %mul3A_79 : i32
      %add3A_81 = vector.broadcast %mul3A_80 : i32 to vector<16xi32>
      %add3A_82 = arith.addi %add3A_81, %iota3A : vector<16xi32>
      %add3A_83 = vector.broadcast %mul3A_2 : i32 to vector<16xi32>
      %add3A_84 = arith.addi %add3A_83, %add3A_82 : vector<16xi32>
      %mul3A_85 = arith.constant 1000 : i32
      %mul3A_86 = vector.broadcast %mul3A_85 : i32 to vector<16xi32>
      %mul3A_87 = arith.muli %add3A_84, %mul3A_86 : vector<16xi32>
      %mul3A_88 = arith.constant 16 : i32
      %mul3A_89 = arith.muli %scan3A_77, %mul3A_88 : i32
      %get3A = arith.index_cast %mul3A_89 : i32 to index
      %get3A_90 = tpu.vector_load %arg5[%get3A] {strides = array<i32>} : memref<512xi32, #tpu.memory_space<vmem>>, vector<16xi32>,
      %add3A_91 = arith.addi %mul3A_87, %get3A_90 : vector<16xi32>
      %jit3A = arith.constant 8 : i32
      %div3A = arith.divsi %scan3A_77, %jit3A : i32
      %sign3A = arith.constant 0 : i32
      %sign3A_92 = arith.cmpi sgt, %scan3A_77, %sign3A : i32
      %sign3A_93 = arith.extui %sign3A_92 : i1 to i32
      %sign3A_94 = arith.constant 0 : i32
      %sign3A_95 = arith.cmpi slt, %scan3A_77, %sign3A_94 : i32
      %sign3A_96 = arith.extui %sign3A_95 : i1 to i32
      %sign3A_97 = arith.subi %sign3A_93, %sign3A_96 : i32
      %sign3A_98 = arith.constant 0 : i32
      %sign3A_99 = arith.cmpi sgt, %jit3A, %sign3A_98 : i32
      %sign3A_100 = arith.extui %sign3A_99 : i1 to i32
      %sign3A_101 = arith.constant 0 : i32
      %sign3A_102 = arith.cmpi slt, %jit3A, %sign3A_101 : i32
      %sign3A_103 = arith.extui %sign3A_102 : i1 to i32
      %sign3A_104 = arith.subi %sign3A_100, %sign3A_103 : i32
      %ne3A = arith.cmpi ne, %sign3A_97, %sign3A_104 : i32
      %rem3A = arith.remsi %scan3A_77, %jit3A : i32
      %ne3A_105 = arith.constant 0 : i32
      %ne3A_106 = arith.cmpi ne, %rem3A, %ne3A_105 : i32
      %and3A = arith.andi %ne3A, %ne3A_106 : i1
      %sub3A = arith.constant 1 : i32
      %sub3A_107 = arith.subi %div3A, %sub3A : i32
      %select_n3A = arith.select %and3A, %sub3A_107, %div3A : i32
      %jit3A_108 = arith.constant 8 : i32
      %eq3A = arith.constant 0 : i32
      %eq3A_109 = arith.cmpi eq, %jit3A_108, %eq3A : i32
      %jit3A_110 = arith.constant 1 : i32
      %select_n3A_111 = arith.select %eq3A_109, %jit3A_110, %jit3A_108 : i32
      %rem3A_112 = arith.remsi %scan3A_77, %select_n3A_111 : i32
      %ne3A_113 = arith.constant 0 : i32
      %ne3A_114 = arith.cmpi ne, %rem3A_112, %ne3A_113 : i32
      %lt3A = arith.constant 0 : i32
      %lt3A_115 = arith.cmpi slt, %rem3A_112, %lt3A : i32
      %lt3A_116 = arith.constant 0 : i32
      %lt3A_117 = arith.cmpi slt, %select_n3A_111, %lt3A_116 : i32
      %ne3A_118 = arith.xori %lt3A_115, %lt3A_117 : i1
      %and3A_119 = arith.andi %ne3A_118, %ne3A_114 : i1
      %add3A_120 = arith.addi %rem3A_112, %select_n3A_111 : i32
      %select_n3A_121 = arith.select %and3A_119, %add3A_120, %rem3A_112 : i32
      %mul3A_122 = arith.constant 16 : i32
      %mul3A_123 = arith.muli %select_n3A_121, %mul3A_122 : i32
      %swap3A = arith.index_cast %select_n3A : i32 to index
      %swap3A_124 = arith.index_cast %mul3A_123 : i32 to index
      %swap3A_125 = tpu.vector_load %arg6[%swap3A, %swap3A_124] {strides = array<i32>} : memref<4x128xi32, #tpu.memory_space<vmem>>, vector<16xi32>,
      tpu.vector_store %arg6[%swap3A, %swap3A_124], %add3A_91 {strides = array<i32>} : memref<4x128xi32, #tpu.memory_space<vmem>>, vector<16xi32>,
      %scan3A_126 = arith.constant 0 : i32
      scf.yield %scan3A_126 : i32
    }
    %scan3A_16 = arith.constant 32 : i32
    %scan3A_17 = arith.constant 0 : i32
    %scan3A_18 = arith.constant 0 : i32
    %scan3A_19 = arith.constant 8 : i32
    %scan3A_20 = arith.addi %scan3A_18, %scan3A_19 : i32
    %scan3A_21 = arith.constant 1 : i32
    %scan3A_22 = scf.for %scan3A_77 = %scan3A_18 to %scan3A_20 step %scan3A_21 iter_args(%scan3A_78 = %scan3A_17) -> (i32)  : i32 {
      %mul3A_79 = arith.constant 16 : i32
      %mul3A_80 = arith.muli %scan3A_77, %mul3A_79 : i32
      %swap3A = arith.index_cast %mul3A_80 : i32 to index
      %swap3A_81 = tpu.vector_load %arg7[%swap3A] {strides = array<i32>} : memref<128xi32, #tpu.memory_space<vmem>>, vector<16xi32>,
      tpu.vector_store %arg7[%swap3A], %broadcast_in_dim3A_9 {strides = array<i32>} : memref<128xi32, #tpu.memory_space<vmem>>, vector<16xi32>,
      %scan3A_82 = arith.constant 0 : i32
      scf.yield %scan3A_82 : i32
    }
    %scan3A_23 = arith.constant 8 : i32
    %scan3A_24 = arith.constant 0 : i32
    %scan3A_25 = arith.constant 0 : i32
    %scan3A_26 = arith.constant 32 : i32
    %scan3A_27 = arith.addi %scan3A_25, %scan3A_26 : i32
    %scan3A_28 = arith.constant 1 : i32
    %scan3A_29 = scf.for %scan3A_77 = %scan3A_25 to %scan3A_27 step %scan3A_28 iter_args(%scan3A_78 = %scan3A_24) -> (i32)  : i32 {
      %dma_wait3A_79 = arith.constant 0 : i32
      %dma_wait3A_80 = tpu.memref_slice %arg4[%dma_wait3A_79] : memref<16384000xi32, #tpu.memory_space<hbm>> -> memref<16000xi32, #tpu.memory_space<hbm>>
      %dma_wait3A_81 = arith.constant 0 : i32
      %dma_wait3A_82 = tpu.memref_slice %arg4[%dma_wait3A_81] : memref<16384000xi32, #tpu.memory_space<hbm>> -> memref<16000xi32, #tpu.memory_space<hbm>>
      tpu.wait_dma2 semaphore(%arg9 : memref<!tpu.dma_semaphore, #tpu.memory_space<semaphore_mem>>) src(%arg8 : memref<16000xi32, #tpu.memory_space<vmem>>) dst(%dma_wait3A_82 : memref<16000xi32, #tpu.memory_space<hbm>>)
      %scan3A_83 = arith.constant 0 : i32
      scf.yield %scan3A_83 : i32
    }
    %scan3A_30 = arith.constant 32 : i32
    %dma_start3A = arith.constant 0 : i32
    %dma_start3A_31 = arith.constant 0 : i32
    %dma_start3A_32 = tpu.memref_slice %arg6[%dma_start3A, %dma_start3A_31] : memref<4x128xi32, #tpu.memory_space<vmem>> -> memref<1x128xi32, #tpu.memory_space<vmem>>
    %dma_start3A_33 = tpu.memref_squeeze %dma_start3A_32 : memref<1x128xi32, #tpu.memory_space<vmem>> -> memref<128xi32, #tpu.memory_space<vmem>>
    %dma_start3A_34 = arith.constant 0 : i32
    %dma_start3A_35 = tpu.memref_slice %arg4[%dma_start3A_34] : memref<16384000xi32, #tpu.memory_space<hbm>> -> memref<16384000xi32, #tpu.memory_space<hbm>>
    tpu.enqueue_indirect_dma source(%arg7 : memref<128xi32, #tpu.memory_space<vmem>>) target(%dma_start3A_35 : memref<16384000xi32, #tpu.memory_space<hbm>>) offsets(%dma_start3A_33 : memref<128xi32, #tpu.memory_space<vmem>>) semaphore(%arg10 : memref<!tpu.dma_semaphore, #tpu.memory_space<semaphore_mem>>)
    %dma_start3A_36 = arith.constant 1 : i32
    %dma_start3A_37 = arith.constant 0 : i32
    %dma_start3A_38 = tpu.memref_slice %arg6[%dma_start3A_36, %dma_start3A_37] : memref<4x128xi32, #tpu.memory_space<vmem>> -> memref<1x128xi32, #tpu.memory_space<vmem>>
    %dma_start3A_39 = tpu.memref_squeeze %dma_start3A_38 : memref<1x128xi32, #tpu.memory_space<vmem>> -> memref<128xi32, #tpu.memory_space<vmem>>
    %dma_start3A_40 = arith.constant 0 : i32
    %dma_start3A_41 = tpu.memref_slice %arg4[%dma_start3A_40] : memref<16384000xi32, #tpu.memory_space<hbm>> -> memref<16384000xi32, #tpu.memory_space<hbm>>
    tpu.enqueue_indirect_dma source(%arg7 : memref<128xi32, #tpu.memory_space<vmem>>) target(%dma_start3A_41 : memref<16384000xi32, #tpu.memory_space<hbm>>) offsets(%dma_start3A_39 : memref<128xi32, #tpu.memory_space<vmem>>) semaphore(%arg10 : memref<!tpu.dma_semaphore, #tpu.memory_space<semaphore_mem>>)
    %dma_start3A_42 = arith.constant 2 : i32
    %dma_start3A_43 = arith.constant 0 : i32
    %dma_start3A_44 = tpu.memref_slice %arg6[%dma_start3A_42, %dma_start3A_43] : memref<4x128xi32, #tpu.memory_space<vmem>> -> memref<1x128xi32, #tpu.memory_space<vmem>>
    %dma_start3A_45 = tpu.memref_squeeze %dma_start3A_44 : memref<1x128xi32, #tpu.memory_space<vmem>> -> memref<128xi32, #tpu.memory_space<vmem>>
    %dma_start3A_46 = arith.constant 0 : i32
    %dma_start3A_47 = tpu.memref_slice %arg4[%dma_start3A_46] : memref<16384000xi32, #tpu.memory_space<hbm>> -> memref<16384000xi32, #tpu.memory_space<hbm>>
    tpu.enqueue_indirect_dma source(%arg7 : memref<128xi32, #tpu.memory_space<vmem>>) target(%dma_start3A_47 : memref<16384000xi32, #tpu.memory_space<hbm>>) offsets(%dma_start3A_45 : memref<128xi32, #tpu.memory_space<vmem>>) semaphore(%arg10 : memref<!tpu.dma_semaphore, #tpu.memory_space<semaphore_mem>>)
    %dma_start3A_48 = arith.constant 3 : i32
    %dma_start3A_49 = arith.constant 0 : i32
    %dma_start3A_50 = tpu.memref_slice %arg6[%dma_start3A_48, %dma_start3A_49] : memref<4x128xi32, #tpu.memory_space<vmem>> -> memref<1x128xi32, #tpu.memory_space<vmem>>
    %dma_start3A_51 = tpu.memref_squeeze %dma_start3A_50 : memref<1x128xi32, #tpu.memory_space<vmem>> -> memref<128xi32, #tpu.memory_space<vmem>>
    %dma_start3A_52 = arith.constant 0 : i32
    %dma_start3A_53 = tpu.memref_slice %arg4[%dma_start3A_52] : memref<16384000xi32, #tpu.memory_space<hbm>> -> memref<16384000xi32, #tpu.memory_space<hbm>>
    tpu.enqueue_indirect_dma source(%arg7 : memref<128xi32, #tpu.memory_space<vmem>>) target(%dma_start3A_53 : memref<16384000xi32, #tpu.memory_space<hbm>>) offsets(%dma_start3A_51 : memref<128xi32, #tpu.memory_space<vmem>>) semaphore(%arg10 : memref<!tpu.dma_semaphore, #tpu.memory_space<semaphore_mem>>)
    %dma_wait3A = arith.constant 0 : i32
    %dma_wait3A_54 = arith.constant 0 : i32
    %dma_wait3A_55 = tpu.memref_slice %arg6[%dma_wait3A, %dma_wait3A_54] : memref<4x128xi32, #tpu.memory_space<vmem>> -> memref<1x128xi32, #tpu.memory_space<vmem>>
    %dma_wait3A_56 = tpu.memref_squeeze %dma_wait3A_55 : memref<1x128xi32, #tpu.memory_space<vmem>> -> memref<128xi32, #tpu.memory_space<vmem>>
    %dma_wait3A_57 = arith.constant 0 : i32
    %dma_wait3A_58 = tpu.memref_slice %arg4[%dma_wait3A_57] : memref<16384000xi32, #tpu.memory_space<hbm>> -> memref<16384000xi32, #tpu.memory_space<hbm>>
    tpu.wait_indirect_dma semaphore(%arg10 : memref<!tpu.dma_semaphore, #tpu.memory_space<semaphore_mem>>) src(%arg7 : memref<128xi32, #tpu.memory_space<vmem>>) dst(%dma_wait3A_58 : memref<16384000xi32, #tpu.memory_space<hbm>>)
    %dma_wait3A_59 = arith.constant 0 : i32
    %dma_wait3A_60 = arith.constant 0 : i32
    %dma_wait3A_61 = tpu.memref_slice %arg6[%dma_wait3A_59, %dma_wait3A_60] : memref<4x128xi32, #tpu.memory_space<vmem>> -> memref<1x128xi32, #tpu.memory_space<vmem>>
    %dma_wait3A_62 = tpu.memref_squeeze %dma_wait3A_61 : memref<1x128xi32, #tpu.memory_space<vmem>> -> memref<128xi32, #tpu.memory_space<vmem>>
    %dma_wait3A_63 = arith.constant 0 : i32
    %dma_wait3A_64 = tpu.memref_slice %arg4[%dma_wait3A_63] : memref<16384000xi32, #tpu.memory_space<hbm>> -> memref<16384000xi32, #tpu.memory_space<hbm>>
    tpu.wait_indirect_dma semaphore(%arg10 : memref<!tpu.dma_semaphore, #tpu.memory_space<semaphore_mem>>) src(%arg7 : memref<128xi32, #tpu.memory_space<vmem>>) dst(%dma_wait3A_64 : memref<16384000xi32, #tpu.memory_space<hbm>>)
    %dma_wait3A_65 = arith.constant 0 : i32
    %dma_wait3A_66 = arith.constant 0 : i32
    %dma_wait3A_67 = tpu.memref_slice %arg6[%dma_wait3A_65, %dma_wait3A_66] : memref<4x128xi32, #tpu.memory_space<vmem>> -> memref<1x128xi32, #tpu.memory_space<vmem>>
    %dma_wait3A_68 = tpu.memref_squeeze %dma_wait3A_67 : memref<1x128xi32, #tpu.memory_space<vmem>> -> memref<128xi32, #tpu.memory_space<vmem>>
    %dma_wait3A_69 = arith.constant 0 : i32
    %dma_wait3A_70 = tpu.memref_slice %arg4[%dma_wait3A_69] : memref<16384000xi32, #tpu.memory_space<hbm>> -> memref<16384000xi32, #tpu.memory_space<hbm>>
    tpu.wait_indirect_dma semaphore(%arg10 : memref<!tpu.dma_semaphore, #tpu.memory_space<semaphore_mem>>) src(%arg7 : memref<128xi32, #tpu.memory_space<vmem>>) dst(%dma_wait3A_70 : memref<16384000xi32, #tpu.memory_space<hbm>>)
    %dma_wait3A_71 = arith.constant 0 : i32
    %dma_wait3A_72 = arith.constant 0 : i32
    %dma_wait3A_73 = tpu.memref_slice %arg6[%dma_wait3A_71, %dma_wait3A_72] : memref<4x128xi32, #tpu.memory_space<vmem>> -> memref<1x128xi32, #tpu.memory_space<vmem>>
    %dma_wait3A_74 = tpu.memref_squeeze %dma_wait3A_73 : memref<1x128xi32, #tpu.memory_space<vmem>> -> memref<128xi32, #tpu.memory_space<vmem>>
    %dma_wait3A_75 = arith.constant 0 : i32
    %dma_wait3A_76 = tpu.memref_slice %arg4[%dma_wait3A_75] : memref<16384000xi32, #tpu.memory_space<hbm>> -> memref<16384000xi32, #tpu.memory_space<hbm>>
    tpu.wait_indirect_dma semaphore(%arg10 : memref<!tpu.dma_semaphore, #tpu.memory_space<semaphore_mem>>) src(%arg7 : memref<128xi32, #tpu.memory_space<vmem>>) dst(%dma_wait3A_76 : memref<16384000xi32, #tpu.memory_space<hbm>>)
    return
  }
}

</mosaic_0001>

<sc_bundles>
// kernel: kernel.3.cloned.1.call-start
scs
__scs_entry_jumppad:
0x0: {  	(pc) =	sbr.rel $0x88, $3  }
0x1: {  	(tag) =	ssettag $0x0;
	lr =	simm.s32 $0x1  }
0x2: {  	[smem:$0x3FA0] =	sst lr;
	_ =	strace $0xD0000000  }
0x3: {  	_ = 	snop  }
0x4: {  	_ = 	snop  }
0x5: {  	_ = 	snop  }
0x6: {  	_ = 	snop  }
0x7: {  	_ = 	snop  }
__scs_overlays_trampoline_lowered:
0x8: {  	[smem:$0x3FAF] =	sst s0  }
0x9: {  	[smem:$0x3FB0] =	sst s1  }
0xa: {  	[smem:$0x3FB1] =	sst s2  }
0xb: {  	[smem:$0x3FB2] =	sst s3  }
0xc: {  	[smem:$0x3FB3] =	sst s4  }
0xd: {  	[smem:$0x3FB4] =	sst s5  }
0xe: {  	[smem:$0x3FB5] =	sst s6  }
0xf: {  	[smem:$0x3FB6] =	sst s7  }
0x10: {  	[smem:$0x3FB7] =	sst s8  }
0x11: {  	[smem:$0x3FB8] =	sst s9;
	s0 =	simm.s32 @!p0 $0x0  }
0x12: {  	s1 =	sld [smem:$0x3F9E];
	s0 =	simm.s32 @p0 $0x1  }
0x13: {  	[smem:$0x3FB9] =	sst s0;
	s0 =	simm.s32 @!p1 $0x0  }
0x14: {  	s2 =	sld [smem:$0x3F9D];
	s0 =	simm.s32 @p1 $0x1  }
0x15: {  	[smem:$0x3FBA] =	sst s0;
	s0 =	simm.s32 @!p2 $0x0  }
0x16: {  	s3 =	sld [smem:$0x3FDB];
	s0 =	simm.s32 @p2 $0x1  }
0x17: {  	s4 =	simm.s32 $0x1BF5;
	[smem:$0x3FBC] =	sst s0  }
0x18: {  	s0 =	sld [smem:$0x3F9F];
	_ =	swait.ge [sflag:s4], $0x0  }
0x19: {  	s7 =	sld [smem:$0x3FA0]  }
0x1a: {  	s8 =	sadd.s32 $0xFFFFE003, lr  }
0x1b: {  	s9 =	sadd.s32 $0xFFFFFEF7, lr;
	s5 =	simm.s32 $0xFFFFFFFF;
	p2 =	slt.u32 s8, $0xFFFFF086  }
0x1c: {  	p1 =	slt.u32 s9, $0xF7A;
	s5 =	simm.s32 @!p2 $0x0  }
0x1d: {  	s5 =	simm.s32 @p1 $0x1;
	p0 =	seq.s32 s7, s2  }
0x1e: {  	s7 =	smul.u32 @!p0 $0xF7A, s2;
	p2 =	seq.s32 @!p0 s5, $0x0  }
0x1f: {  	s9 =	smul.u32 $0xF7A, s1;
	s8 =	simm.s32 @!p0 $0x1BF5;
	p2 =	por !p2, p0  }
0x20: {  	[sflag:s8] =	ssyncset.s32 @!p0 $0xFFFFF086;
	s6 =	sadd.s32 @!p0 s3, s7;
	s7 =	simm.s32 @!p0 $0x108  }
0x21: {  	s3 =	sadd.s32 s3, s9;
	s6 =	sadd.s32 @!p0 $0x88, s6;
	s7 =	simm.s32 @p2 $0x1082  }
0x22: {  	[simem:s7], [sflag:s8] =	dma.local @!p0 [hbm:s6], $0xF7A  }
0x23: {  	s9 =	sor.u32 $0xD0000000, s2;
	s6 =	simm.s32 $0x108;
	_ =	swait.ge @!p0 [sflag:s8], $0x0  }
0x24: {  	s3 =	sadd.s32 $0x88, s3;
	s6 =	simm.s32 @!p1 $0x1082;
	[sflag:s4] =	ssyncset.s32 $0xFFFFF086  }
0x25: {  	[simem:s6], [sflag:s4] =	dma.local [hbm:s3], $0xF7A  }
0x26: {  	[smem:$0x3FA0] =	sst s1;
	(tag) =	ssettag s2;
	_ =	strace s9  }
0x27: {  	s1 =	sld [smem:$0x3FB0]  }
0x28: {  	s2 =	sld [smem:$0x3FB1]  }
0x29: {  	s4 =	sld [smem:$0x3FB3]  }
0x2a: {  	p0 =	seq.s32 s5, $0x0;
	s5 =	sld [smem:$0x3FB4]  }
0x2b: {  	s6 =	sld [smem:$0x3FB5]  }
0x2c: {  	s7 =	sld [smem:$0x3FB6]  }
0x2d: {  	s3 =	simm.s32 $0x108;
	s8 =	sld [smem:$0x3FB7]  }
0x2e: {  	s3 =	simm.s32 @!p0 $0x1082;
	s9 =	sld [smem:$0x3FB8]  }
0x2f: {  	lr =	sadd.s32 s0, s3;
	s0 =	sld [smem:$0x3FAF]  }
0x30: {  	s3 =	sld [smem:$0x3FB2]  }
0x31: {  	[smem:$0x3FBB] =	sst s10  }
0x32: {  	s10 =	sld [smem:$0x3FB9];
	_ =	sdelay $0x3  }
0x33: {  	p0 =	seq.s32 s10, $0x1;
	s10 =	sld [smem:$0x3FBB];
	_ =	sdelay $0x3  }
0x34: {  	[smem:$0x3FBB] =	sst s10  }
0x35: {  	s10 =	sld [smem:$0x3FBA];
	_ =	sdelay $0x3  }
0x36: {  	p1 =	seq.s32 s10, $0x1;
	s10 =	sld [smem:$0x3FBB];
	_ =	sdelay $0x3  }
0x37: {  	[smem:$0x3FBB] =	sst s10  }
0x38: {  	s10 =	sld [smem:$0x3FBC]  }
0x39: {  	_ = 	snop;
	(pc) =	sbr.ind lr, $3  }
0x3a: {  	_ = 	snop  }
0x3b: {  	_ = 	snop  }
0x3c: {  	p2 =	seq.s32 s10, $0x1;
	s10 =	sld [smem:$0x3FBB]  }
0x3d: {  	_ =	shalt  }
0x3e: {  	_ =	shalt  }
0x3f: {  	_ =	shalt  }
0x40: {  	_ =	shalt  }
0x41: {  	_ =	shalt  }
0x42: {  	_ =	shalt  }
0x43: {  	_ =	shalt  }
0x44: {  	_ =	shalt  }
0x45: {  	_ =	shalt  }
0x46: {  	_ =	shalt  }
0x47: {  	_ =	shalt  }
0x48: {  	_ =	shalt  }
0x49: {  	_ =	shalt  }
0x4a: {  	_ =	shalt  }
0x4b: {  	_ =	shalt  }
0x4c: {  	_ =	shalt  }
0x4d: {  	_ =	shalt  }
0x4e: {  	_ =	shalt  }
0x4f: {  	_ =	shalt  }
0x50: {  	_ =	shalt  }
0x51: {  	_ =	shalt  }
0x52: {  	_ =	shalt  }
0x53: {  	_ =	shalt  }
0x54: {  	_ =	shalt  }
0x55: {  	_ =	shalt  }
0x56: {  	_ =	shalt  }
0x57: {  	_ =	shalt  }
0x58: {  	_ =	shalt  }
0x59: {  	_ =	shalt  }
0x5a: {  	_ =	shalt  }
0x5b: {  	_ =	shalt  }
0x5c: {  	_ =	shalt  }
0x5d: {  	_ =	shalt  }
0x5e: {  	_ =	shalt  }
0x5f: {  	_ =	shalt  }
0x60: {  	_ =	shalt  }
0x61: {  	_ =	shalt  }
0x62: {  	_ =	shalt  }
0x63: {  	_ =	shalt  }
0x64: {  	_ =	shalt  }
0x65: {  	_ =	shalt  }
0x66: {  	_ =	shalt  }
0x67: {  	_ =	shalt  }
0x68: {  	_ =	shalt  }
0x69: {  	_ =	shalt  }
0x6a: {  	_ =	shalt  }
0x6b: {  	_ =	shalt  }
0x6c: {  	_ =	shalt  }
0x6d: {  	_ =	shalt  }
0x6e: {  	_ =	shalt  }
0x6f: {  	_ =	shalt  }
0x70: {  	_ =	shalt  }
0x71: {  	_ =	shalt  }
0x72: {  	_ =	shalt  }
0x73: {  	_ =	shalt  }
0x74: {  	_ =	shalt  }
0x75: {  	_ =	shalt  }
0x76: {  	_ =	shalt  }
0x77: {  	_ =	shalt  }
0x78: {  	_ =	shalt  }
0x79: {  	_ =	shalt  }
0x7a: {  	_ =	shalt  }
0x7b: {  	_ =	shalt  }
0x7c: {  	_ =	shalt  }
0x7d: {  	_ =	shalt  }
0x7e: {  	_ =	shalt  }
0x7f: {  	_ =	shalt  }
0x80: {  	_ =	shalt  }
0x81: {  	_ =	shalt  }
0x82: {  	_ =	shalt  }
0x83: {  	_ =	shalt  }
0x84: {  	_ =	shalt  }
0x85: {  	_ =	shalt  }
0x86: {  	_ =	shalt  }
0x87: {  	_ =	shalt  }
.Lfunc_end0:
.L_simem_size_0:
called_computation.1_lowered:
.L_overlay_start_0:
0x88: {  	s2 =	sld [smem:$0x3FD9]  }
0x89: {  	s3 =	sld [smem:$0x3FFE];
	_ =	sdelay $0x1  }
0x8a: {  	s1 =	srdreg.scid  }
0x8b: {  	s0 =	sand.u32 $0x1, s1  }
0x8c: {  	s17 =	sshll.u32 s0, $0xA;
	s2 =	sadd.s32 s3, s2  }
0x8d: {  	s2 =	sadd.s32 s2, s17  }
0x8e: {  	[smem:$0x3FC7] =	sst s2  }
0x8f: {  	_ = 	snop  }
0x90: {  	s2 =	sld [smem:$0x3FC9]  }
0x91: {  	s18 =	sld [smem:$0x3FD0];
	(tm) =	ssettm $0x1  }
0x92: {  	s4 =	sld [smem:$0x3FFB];
	_ =	sdelay $0x3  }
0x93: {  	_ =	strace s4  }
0x94: {  	s4 =	sld [smem:$0x3FFC];
	_ =	sdelay $0x3  }
0x95: {  	_ =	strace s4  }
0x96: {  	s4 =	sld [smem:$0x3FFD];
	_ =	sdelay $0x3  }
0x97: {  	_ =	strace s4  }
0x98: {  	_ =	strace $0x8FFFFFFF  }
0x99: {  	s19 =	sld [smem:$0x3FDB];
	_ =	sdelay $0x1  }
0x9a: {  	s5 =	simm.s32 $_scs_section_size  }
0x9b: {  	s6 =	simm.s32 $_size__tile_overlayer_lowered;
	s7 =	simm.s32 $_tile_overlayer_lowered  }
0x9c: {  	s22 =	simm.s32 $0x1BFF;
	s21 =	sshll.u32 s7, $0x1;
	s4 =	sadd.s32 s5, s19  }
0x9d: {  	s8 =	simm.s32 $0x0;
	s20 =	sshll.u32 s6, $0x1;
	s6 =	sadd.s32 s21, s4  }
0x9e: {  	[timem:s8], [sflag:s22] =	dma.local [hbm:s6], s20  }
0x9f: {  	_ =	swait.ge [sflag:s22], s20  }
0xa0: {  	s5 =	ssub.s32 $0x0, s20;
	[sflag:s22] =	ssyncset.done $0x0  }
0xa1: {  	[sflag:s22] =	ssyncadd.s32 s5;
	_ =	sdelay $0x1  }
0xa2: {  	s23 =	simm.s32 $0x1B8B  }
0xa3: {  	_ =	swait.ge [sflag:s23], $0x1  }
0xa4: {  	[sflag:s23] =	ssyncset.done $0x0  }
0xa5: {  	s25 =	simm.s32 $0x1B8E;
	s24 =	sld [smem:$0x3FFE];
	[sflag:s23] =	ssyncadd.s32 $0xFFFFFFFF  }
0xa6: {  	s26 =	simm.s32 $execute0_lowered;
	[smem:$0x3FD2] =	sst s25  }
0xa7: {  	s6 =	sshll.u32 s26, $0x1;
	_ =	strace $0x80000046;
	[dreg:$0x1] =	wrdreg $0xFFFFFFFF  }
0xa8: {  	s28 =	simm.s32 $_size_execute0_lowered;
	s4 =	sadd.s32 s4, s6;
	[dreg:$0x0] =	wrdreg $0x0  }
0xa9: {  	s6 =	sshll.u32 s28, $0x1;
	[dreg:$0x2] =	wrdreg s4  }
0xaa: {  	[dreg:$0x3] =	wrdreg s6  }
0xab: {  	[dreg:$0x4] =	wrdreg $0xC0  }
0xac: {  	_ =	task [dreg:s8], $0x5FFFF  }
0xad: {  	[dreg:$0x1] =	wrdreg $0xFFFFFFFF  }
0xae: {  	[dreg:$0x0] =	wrdreg $0x60  }
0xaf: {  	[dreg:$0x2] =	wrdreg s2  }
0xb0: {  	[dreg:$0x3] =	wrdreg s24  }
0xb1: {  	[dreg:$0x4] =	wrdreg s18  }
0xb2: {  	[dreg:$0x5] =	wrdreg $0x9  }
0xb3: {  	_ =	task.clear_ibuf [dreg:s8], $0x6FFFF;
	_ =	strace $0x90000046  }
0xb4: {  	s29 =	simm.s32 $0x9;
	_ =	strace $0x80000048  }
0xb5: {  	_ =	swait.ge [sflag:s29], $0x1  }
0xb6: {  	[sflag:s29] =	ssyncadd.s32 $0xFFFFFFFF  }
0xb7: {  	_ =	strace $0x90000048  }
0xb8: {  	_ =	sfence  }
0xb9: {  	s30 =	sld [smem:$0x0];
	_ =	sdelay $0x2  }
0xba: {  	s31 =	sshll.u32 s1, $0xD;
	s1 =	sshrl.u32 s1, $0x2  }
0xbb: {  	s3 =	sand.u32 $0x4000, s31;
	s1 =	sadd.s32 s1, s30  }
0xbc: {  	s0 =	sor.u32 s3, s0;
	s1 =	sshll.u32 s1, $0x11  }
0xbd: {  	s0 =	sor.u32 s1, s0  }
0xbe: {  	s0 =	sadd.s32 $0x8F2B, s0  }
0xbf: {  	[sflag:s0] =	ssyncadd.remote.s32 $0x1  }
0xc0: {  	_ =	sfence.sel $0xFFFF  }
0xc1: {  	[dreg:$0x0] =	wrdreg $0xFFFFFFFF;
	(pc) =	sbr.abs _section_cstart, $3  }
0xc2: {  	[dreg:$0x1] =	wrdreg $0xFFFFFFFF  }
0xc3: {  	_ =	task.clear_ibuf [dreg:s8], $0x2FFFF;
	_ =	strace $0x9FFFFFFF  }
0xc4: {  	(tm) =	ssettm $0x7FFFFFFF  }
0xc5: {  	_ =	shalt  }
tec
execute0_lowered:
.L_overlay_start_1:
0x0: {  	(tag) =	ssettag $0x1  }
0x1: {  	s6 =	rddreg [dreg:$0x0]  }
0x2: {  	s4 =	rddreg [dreg:$0x1]  }
0x3: {  	s1 =	rddreg [dreg:$0x2]  }
0x4: {  	s0 =	rddreg [dreg:$0x3];
	s3 =	simm.s32 $0x0;
	s5 =	srdreg.scid  }
0x5: {  	s2 =	stileid.u32;
	s12 =	simm.s32 $0x80;
	s13 =	simm.s32 $0x200  }
0x6: {  	s14 =	simm.s32 $0x400;
	s15 =	simm.s32 $0x280;
	s16 =	simm.s32 $0x300  }
0x7: {  	s17 =	simm.s32 $0x380;
	s18 =	simm.s32 $0x2;
	s19 =	simm.s32 $0x0  }
0x8: {  	[smem:$0x7FF] =	sst s3;
	s5 =	sand.u32 $0x1, s5;
	s8 =	smul.u32 $0xFA000, s2  }
0x9: {  	s10 =	sshll.u32 s2, $0x1;
	s4 =	sadd.s32 $0x800, s4;
	_ =	strace $0x80000047  }
0xa: {  	s7 =	ssub.s32 $0x2, s5;
	s11 =	smul.u32 $0x7D000, s5;
	s31 =	sor.u32 s5, s10  }
0xb: {  	s10 =	simm.s32 $0x480;
	s9 =	sshrl.u32 s7, $0x1;
	s5 =	sshll.u32 s31, $0x9  }
0xc: {  	s7 =	ssub.s32 s7, s9;
	s9 =	sshll.u32 s31, $0x6;
	s8 =	sadd.s32 s11, s8  }
0xd: {  	v0 =	vlaneseq.u32;
	s11 =	simm.s32 $0x1;
	s6 =	sadd.s32 s6, s9;
	s8 =	sshrl.u32 s8, $0x3  }
0xe: {  	v1 =	vimm.s32 $0x1;
	v0 =	vmul.u32 $0x3E8, v0;
	s7 =	smax.u32 s7, $0x1;
	s9 =	simm.s32 $0x3;
	s8 =	sadd.s32 s8, s1  }
.LBB2_1:
0xf: {  	[tilespmem:s3], [sflag:$0x3] =	stream.linear.gather [hbm4b:s6+s3], $0x200, $0x38;
	[tilespmem:$0x4300] =	vst v63  }
0x10: {  	_ =	swait.ge [sflag:s9], $0x200  }
0x11: {  	[sflag:s9] =	ssyncset.done $0x0  }
0x12: {  	[sflag:s9] =	ssyncadd.s32 $0xFFFFFE00  }
0x13: {  	[tilespmem:s10], [sflag:$0x3] =	stream.linear.gather [hbm4b:s4+s3], $0x3E80, $0x38;
	[tilespmem:$0x4300] =	vst v63  }
0x14: {  	_ =	swait.ge [sflag:s9], $0x3E80  }
0x15: {  	s21 =	simm.s32 $0x7D0;
	[sflag:s9] =	ssyncset.done $0x0  }
0x16: {  	s22 =	sadd.s32 $0x0, s8;
	s20 =	simm.s32 $0x0;
	[sflag:s9] =	ssyncadd.s32 $0xFFFFC180  }
.LBB2_2:
0x17: {  	[hbm4b:s22+s20] =	stream.linear.scatter [tilespmem:s10], [sflag:$0x1], $0x3E80, $0x38;
	[tilespmem:$0x4300] =	vst v63  }
0x18: {  	s20 =	smov.u32 s21;
	p0 =	sne.s32 s21, $0xF230  }
.Ltmp0:
0x19: {  	s21 =	sadd.s32 $0x7D0, s21;
	(pc) =	sbr.rel @p0 .LBB2_2-.Ltmp0, $2  }
0x1a: {  	_ =	sdelay $0x2  }
0x1b: {  	s22 =	sadd.s32 s20, s8;
	s20 =	simm.s32 $0x0  }
0x1c: {  	[hbm4b:s22+s20] =	stream.linear.scatter [tilespmem:s10], [sflag:$0x1], $0x3E80, $0x38;
	[tilespmem:$0x4300] =	vst v63  }
0x1d: {  	s23 =	sor.u32 s5, s20  }
0x1e: {  	s24 =	simm.s32 $0x0;
	s22 =	simm.s32 $0x40;
	s21 =	simm.s32 $0x0  }
.LBB2_4:
0x1f: {  	p0 =	sne.s32 s22, $0x7C0;
	v2 =	vmov s23;
	v3 =	vld [tilespmem:s24+$0x0]  }
0x20: {  	v2 =	vmul.u32 $0x3E8, v2;
	_ =	sdelay $0x1  }
.Ltmp1:
0x21: {  	v2 =	vbroadcast v2, $0x0;
	(pc) =	sbr.rel @p0 .LBB2_4-.Ltmp1, $4  }
0x22: {  	s23 =	sand.u32 $0x600, s20;
	s20 =	smov.u32 s22  }
0x23: {  	s24 =	sand.u32 $0x70, s21;
	s23 =	sshrl.u32 s23, $0x2;
	v2 =	vadd.s32 v3, v2  }
0x24: {  	s21 =	sadd.s32 $0x10, s21;
	s25 =	sor.u32 s24, s23;
	v2 =	vadd.s32 v0, v2  }
0x25: {  	s22 =	sadd.s32 $0x40, s22;
	s23 =	sor.u32 s5, s21;
	s24 =	sshra.s32 s20, $0x2;
	[tilespmem:s25+$0x200] =	vst v2  }
0x26: {  	v2 =	vmov s23;
	v3 =	vld [tilespmem:s24+$0x0]  }
0x27: {  	v2 =	vmul.u32 $0x3E8, v2;
	_ =	sdelay $0x1  }
0x28: {  	v2 =	vbroadcast v2, $0x0  }
0x29: {  	s20 =	sand.u32 $0x600, s20  }
0x2a: {  	s21 =	sand.u32 $0x70, s21;
	s20 =	sshrl.u32 s20, $0x2;
	v2 =	vadd.s32 v3, v2  }
0x2b: {  	s20 =	sor.u32 s21, s20;
	v2 =	vadd.s32 v0, v2  }
0x2c: {  	[tilespmem:s20+$0x200] =	vst v2  }
0x2d: {  	[tilespmem:$0x400] =	vst v1  }
0x2e: {  	[tilespmem:$0x410] =	vst v1  }
0x2f: {  	[tilespmem:$0x420] =	vst v1  }
0x30: {  	[tilespmem:$0x430] =	vst v1  }
0x31: {  	[tilespmem:$0x440] =	vst v1  }
0x32: {  	[tilespmem:$0x450] =	vst v1  }
0x33: {  	[tilespmem:$0x460] =	vst v1  }
0x34: {  	[tilespmem:$0x470] =	vst v1  }
0x35: {  	_ =	swait.ge [sflag:s11], $0x3E80  }
0x36: {  	[sflag:s11] =	ssyncset.done $0x0  }
0x37: {  	[sflag:s11] =	ssyncadd.s32 $0xFFFFC180  }
0x38: {  	_ =	swait.ge [sflag:s11], $0x3E80  }
0x39: {  	[sflag:s11] =	ssyncset.done $0x0  }
0x3a: {  	[sflag:s11] =	ssyncadd.s32 $0xFFFFC180  }
0x3b: {  	_ =	swait.ge [sflag:s11], $0x3E80  }
0x3c: {  	[sflag:s11] =	ssyncset.done $0x0  }
0x3d: {  	[sflag:s11] =	ssyncadd.s32 $0xFFFFC180  }
0x3e: {  	_ =	swait.ge [sflag:s11], $0x3E80  }
0x3f: {  	[sflag:s11] =	ssyncset.done $0x0  }
0x40: {  	[sflag:s11] =	ssyncadd.s32 $0xFFFFC180  }
0x41: {  	_ =	swait.ge [sflag:s11], $0x3E80  }
0x42: {  	[sflag:s11] =	ssyncset.done $0x0  }
0x43: {  	[sflag:s11] =	ssyncadd.s32 $0xFFFFC180  }
0x44: {  	_ =	swait.ge [sflag:s11], $0x3E80  }
0x45: {  	[sflag:s11] =	ssyncset.done $0x0  }
0x46: {  	[sflag:s11] =	ssyncadd.s32 $0xFFFFC180  }
0x47: {  	_ =	swait.ge [sflag:s11], $0x3E80  }
0x48: {  	[sflag:s11] =	ssyncset.done $0x0  }
0x49: {  	[sflag:s11] =	ssyncadd.s32 $0xFFFFC180  }
0x4a: {  	_ =	swait.ge [sflag:s11], $0x3E80  }
0x4b: {  	[sflag:s11] =	ssyncset.done $0x0  }
0x4c: {  	[sflag:s11] =	ssyncadd.s32 $0xFFFFC180  }
0x4d: {  	_ =	swait.ge [sflag:s11], $0x3E80  }
0x4e: {  	[sflag:s11] =	ssyncset.done $0x0  }
0x4f: {  	[sflag:s11] =	ssyncadd.s32 $0xFFFFC180  }
0x50: {  	_ =	swait.ge [sflag:s11], $0x3E80  }
0x51: {  	[sflag:s11] =	ssyncset.done $0x0  }
0x52: {  	[sflag:s11] =	ssyncadd.s32 $0xFFFFC180  }
0x53: {  	_ =	swait.ge [sflag:s11], $0x3E80  }
0x54: {  	[sflag:s11] =	ssyncset.done $0x0  }
0x55: {  	[sflag:s11] =	ssyncadd.s32 $0xFFFFC180  }
0x56: {  	_ =	swait.ge [sflag:s11], $0x3E80  }
0x57: {  	[sflag:s11] =	ssyncset.done $0x0  }
0x58: {  	[sflag:s11] =	ssyncadd.s32 $0xFFFFC180  }
0x59: {  	_ =	swait.ge [sflag:s11], $0x3E80  }
0x5a: {  	[sflag:s11] =	ssyncset.done $0x0  }
0x5b: {  	[sflag:s11] =	ssyncadd.s32 $0xFFFFC180  }
0x5c: {  	_ =	swait.ge [sflag:s11], $0x3E80  }
0x5d: {  	[sflag:s11] =	ssyncset.done $0x0  }
0x5e: {  	[sflag:s11] =	ssyncadd.s32 $0xFFFFC180  }
0x5f: {  	_ =	swait.ge [sflag:s11], $0x3E80  }
0x60: {  	[sflag:s11] =	ssyncset.done $0x0  }
0x61: {  	[sflag:s11] =	ssyncadd.s32 $0xFFFFC180  }
0x62: {  	_ =	swait.ge [sflag:s11], $0x3E80  }
0x63: {  	[sflag:s11] =	ssyncset.done $0x0  }
0x64: {  	[sflag:s11] =	ssyncadd.s32 $0xFFFFC180  }
0x65: {  	_ =	swait.ge [sflag:s11], $0x3E80  }
0x66: {  	[sflag:s11] =	ssyncset.done $0x0  }
0x67: {  	[sflag:s11] =	ssyncadd.s32 $0xFFFFC180  }
0x68: {  	_ =	swait.ge [sflag:s11], $0x3E80  }
0x69: {  	[sflag:s11] =	ssyncset.done $0x0  }
0x6a: {  	[sflag:s11] =	ssyncadd.s32 $0xFFFFC180  }
0x6b: {  	_ =	swait.ge [sflag:s11], $0x3E80  }
0x6c: {  	[sflag:s11] =	ssyncset.done $0x0  }
0x6d: {  	[sflag:s11] =	ssyncadd.s32 $0xFFFFC180  }
0x6e: {  	_ =	swait.ge [sflag:s11], $0x3E80  }
0x6f: {  	[sflag:s11] =	ssyncset.done $0x0  }
0x70: {  	[sflag:s11] =	ssyncadd.s32 $0xFFFFC180  }
0x71: {  	_ =	swait.ge [sflag:s11], $0x3E80  }
0x72: {  	[sflag:s11] =	ssyncset.done $0x0  }
0x73: {  	[sflag:s11] =	ssyncadd.s32 $0xFFFFC180  }
0x74: {  	_ =	swait.ge [sflag:s11], $0x3E80  }
0x75: {  	[sflag:s11] =	ssyncset.done $0x0  }
0x76: {  	[sflag:s11] =	ssyncadd.s32 $0xFFFFC180  }
0x77: {  	_ =	swait.ge [sflag:s11], $0x3E80  }
0x78: {  	[sflag:s11] =	ssyncset.done $0x0  }
0x79: {  	[sflag:s11] =	ssyncadd.s32 $0xFFFFC180  }
0x7a: {  	_ =	swait.ge [sflag:s11], $0x3E80  }
0x7b: {  	[sflag:s11] =	ssyncset.done $0x0  }
0x7c: {  	[sflag:s11] =	ssyncadd.s32 $0xFFFFC180  }
0x7d: {  	_ =	swait.ge [sflag:s11], $0x3E80  }
0x7e: {  	[sflag:s11] =	ssyncset.done $0x0  }
0x7f: {  	[sflag:s11] =	ssyncadd.s32 $0xFFFFC180  }
0x80: {  	_ =	swait.ge [sflag:s11], $0x3E80  }
0x81: {  	[sflag:s11] =	ssyncset.done $0x0  }
0x82: {  	[sflag:s11] =	ssyncadd.s32 $0xFFFFC180  }
0x83: {  	_ =	swait.ge [sflag:s11], $0x3E80  }
0x84: {  	[sflag:s11] =	ssyncset.done $0x0  }
0x85: {  	[sflag:s11] =	ssyncadd.s32 $0xFFFFC180  }
0x86: {  	_ =	swait.ge [sflag:s11], $0x3E80  }
0x87: {  	[sflag:s11] =	ssyncset.done $0x0  }
0x88: {  	[sflag:s11] =	ssyncadd.s32 $0xFFFFC180  }
0x89: {  	_ =	swait.ge [sflag:s11], $0x3E80  }
0x8a: {  	[sflag:s11] =	ssyncset.done $0x0  }
0x8b: {  	[sflag:s11] =	ssyncadd.s32 $0xFFFFC180  }
0x8c: {  	_ =	swait.ge [sflag:s11], $0x3E80  }
0x8d: {  	[sflag:s11] =	ssyncset.done $0x0  }
0x8e: {  	[sflag:s11] =	ssyncadd.s32 $0xFFFFC180  }
0x8f: {  	_ =	swait.ge [sflag:s11], $0x3E80  }
0x90: {  	[sflag:s11] =	ssyncset.done $0x0  }
0x91: {  	[sflag:s11] =	ssyncadd.s32 $0xFFFFC180  }
0x92: {  	_ =	swait.ge [sflag:s11], $0x3E80  }
0x93: {  	[sflag:s11] =	ssyncset.done $0x0  }
0x94: {  	[sflag:s11] =	ssyncadd.s32 $0xFFFFC180  }
0x95: {  	[hbm4b:s1+s12] =	stream.indirect.scatter [tilespmem:s14], [sflag:$0x2], $0x1, s13, s12, $0xb8;
	[tilespmem:$0x4300] =	vst v63  }
0x96: {  	_ = 	snop  }
0x97: {  	[hbm4b:s1+s12] =	stream.indirect.scatter [tilespmem:s14], [sflag:$0x2], $0x1, s15, s12, $0xb8;
	[tilespmem:$0x4300] =	vst v63  }
0x98: {  	_ = 	snop  }
0x99: {  	[hbm4b:s1+s12] =	stream.indirect.scatter [tilespmem:s14], [sflag:$0x2], $0x1, s16, s12, $0xb8;
	[tilespmem:$0x4300] =	vst v63  }
0x9a: {  	_ = 	snop  }
0x9b: {  	[hbm4b:s1+s12] =	stream.indirect.scatter [tilespmem:s14], [sflag:$0x2], $0x1, s17, s12, $0xb8;
	[tilespmem:$0x4300] =	vst v63  }
0x9c: {  	_ =	swait.ge [sflag:s18], $0x80  }
0x9d: {  	[sflag:s18] =	ssyncset.done $0x0  }
0x9e: {  	[sflag:s18] =	ssyncadd.s32 $0xFFFFFF80  }
0x9f: {  	_ =	swait.ge [sflag:s18], $0x80  }
0xa0: {  	[sflag:s18] =	ssyncset.done $0x0  }
0xa1: {  	s19 =	sadd.s32 $0x1, s19;
	[sflag:s18] =	ssyncadd.s32 $0xFFFFFF80  }
0xa2: {  	p0 =	sne.s32 s19, s7;
	_ =	swait.ge [sflag:s18], $0x80  }
.Ltmp2:
0xa3: {  	[sflag:s18] =	ssyncset.done $0x0;
	(pc) =	sbr.rel @p0 .LBB2_1-.Ltmp2, $4  }
0xa4: {  	[sflag:s18] =	ssyncadd.s32 $0xFFFFFF80  }
0xa5: {  	_ =	swait.ge [sflag:s18], $0x80  }
0xa6: {  	[sflag:s18] =	ssyncset.done $0x0  }
0xa7: {  	[sflag:s18] =	ssyncadd.s32 $0xFFFFFF80  }
0xa8: {  	_ =	sfence.sel $0x180000  }
0xa9: {  	[bflag:$0x0] =	sbarrier.arrive $0xFFFF  }
0xaa: {  	p0 =	sne.s32 s2, $0x0;
	_ =	strace $0x90000047  }
0xab: {  	s0 =	sadd.s32 @!p0 $0x100000, s0;
	[bflag:$0x2] =	sbarrier.arrive $0xFFFF  }
0xac: {  	[sflag:s0] =	ssyncadd.tile.s32 @!p0 $0x1;
	_ =	shalt  }
.Lfunc_end2:
_tile_overlayer_lowered:
.L_overlay_start_2:
0xad: {  	(tag) =	ssettag $0x2  }
0xae: {  	s0 =	rddreg [dreg:$0x0];
	s2 =	stileid.u32  }
0xaf: {  	s1 =	rddreg [dreg:$0x1];
	p0 =	sne.s32 s2, $0x0  }
0xb0: {  	s3 =	rddreg [dreg:$0x2];
	[bflag:$0x3] =	sbarrier.arrive $0xFFFF;
	s2 =	simm.s32 @!p0 $0x1C03  }
0xb1: {  	[timem:s3], [sflag:s2] =	dma.local @!p0 [hbm:s0], s1  }
0xb2: {  	s0 =	simm.s32 @!p0 $0x3  }
0xb3: {  	_ =	swait.ge @!p0 [sflag:s0], s1  }
0xb4: {  	s1 =	ssub.s32 @!p0 $0x0, s1;
	[sflag:s0] =	ssyncset.done @!p0 $0x0  }
0xb5: {  	[sflag:s0] =	ssyncadd.s32 @!p0 s1  }
0xb6: {  	[bflag:$0x3] =	sbarrier.arrive $0xFFFF  }
0xb7: {  	_ =	shalt  }

// kernel: sparse-core-data-format-call.cloned.1.call-start
scs
called_computation_lowered:
.L_overlay_start_0:
0x0: {  	s2 =	sld [smem:$0x3FD9]  }
0x1: {  	s3 =	sld [smem:$0x3FFE];
	_ =	sdelay $0x1  }
0x2: {  	s1 =	srdreg.scid  }
0x3: {  	s0 =	sand.u32 $0x1, s1  }
0x4: {  	s18 =	sshll.u32 s0, $0xA;
	s2 =	sadd.s32 s3, s2  }
0x5: {  	s2 =	sadd.s32 s2, s18  }
0x6: {  	[smem:$0x3FC7] =	sst s2  }
0x7: {  	_ = 	snop  }
0x8: {  	s2 =	sld [smem:$0x3FD0];
	(tm) =	ssettm $0x1  }
0x9: {  	s19 =	sld [smem:$0x3FFB];
	_ =	sdelay $0x3  }
0xa: {  	_ =	strace s19  }
0xb: {  	s3 =	sld [smem:$0x3FFC];
	_ =	sdelay $0x3  }
0xc: {  	_ =	strace s3  }
0xd: {  	s3 =	sld [smem:$0x3FFD];
	_ =	sdelay $0x3  }
0xe: {  	_ =	strace s3  }
0xf: {  	_ =	strace $0x8FFFFFFF  }
0x10: {  	s20 =	sld [smem:$0x3FDB];
	_ =	sdelay $0x1  }
0x11: {  	s4 =	simm.s32 $_scs_section_size  }
0x12: {  	s5 =	simm.s32 $_size__tile_overlayer_lowered;
	s6 =	simm.s32 $_tile_overlayer_lowered  }
0x13: {  	s23 =	simm.s32 $0x1BFF;
	s22 =	sshll.u32 s6, $0x1;
	s3 =	sadd.s32 s4, s20  }
0x14: {  	s7 =	simm.s32 $0x0;
	s21 =	sshll.u32 s5, $0x1;
	s5 =	sadd.s32 s22, s3  }
0x15: {  	[timem:s7], [sflag:s23] =	dma.local [hbm:s5], s21  }
0x16: {  	_ =	swait.ge [sflag:s23], s21  }
0x17: {  	s4 =	ssub.s32 $0x0, s21;
	[sflag:s23] =	ssyncset.done $0x0  }
0x18: {  	[sflag:s23] =	ssyncadd.s32 s4;
	_ =	sdelay $0x1  }
0x19: {  	s24 =	simm.s32 $0x1B8B  }
0x1a: {  	_ =	swait.ge [sflag:s24], $0x1  }
0x1b: {  	[sflag:s24] =	ssyncset.done $0x0  }
0x1c: {  	s26 =	simm.s32 $0x1B8E;
	s25 =	sld [smem:$0x3FFE];
	[sflag:s24] =	ssyncadd.s32 $0xFFFFFFFF  }
0x1d: {  	s27 =	simm.s32 $execute0_lowered;
	[smem:$0x3FD2] =	sst s26  }
0x1e: {  	s5 =	sshll.u32 s27, $0x1;
	_ =	strace $0x80000049;
	[dreg:$0x1] =	wrdreg $0xFFFFFFFF  }
0x1f: {  	s28 =	simm.s32 $_size_execute0_lowered;
	s3 =	sadd.s32 s3, s5;
	[dreg:$0x0] =	wrdreg $0x0  }
0x20: {  	s5 =	sshll.u32 s28, $0x1;
	[dreg:$0x2] =	wrdreg s3  }
0x21: {  	[dreg:$0x3] =	wrdreg s5  }
0x22: {  	[dreg:$0x4] =	wrdreg $0xC0  }
0x23: {  	_ =	task [dreg:s7], $0x5FFFF  }
0x24: {  	[dreg:$0x1] =	wrdreg $0xFFFFFFFF  }
0x25: {  	[dreg:$0x0] =	wrdreg $0x60  }
0x26: {  	[dreg:$0x2] =	wrdreg s25  }
0x27: {  	[dreg:$0x3] =	wrdreg s2  }
0x28: {  	[dreg:$0x4] =	wrdreg $0x9  }
0x29: {  	_ =	task.clear_ibuf [dreg:s7], $0x5FFFF;
	_ =	strace $0x90000049  }
0x2a: {  	s29 =	simm.s32 $0x9;
	_ =	strace $0x8000004B  }
0x2b: {  	_ =	swait.ge [sflag:s29], $0x1  }
0x2c: {  	[sflag:s29] =	ssyncadd.s32 $0xFFFFFFFF  }
0x2d: {  	_ =	strace $0x9000004B  }
0x2e: {  	_ =	sfence  }
0x2f: {  	s30 =	sld [smem:$0x0];
	_ =	sdelay $0x2  }
0x30: {  	s31 =	sshll.u32 s1, $0xD;
	s1 =	sshrl.u32 s1, $0x2  }
0x31: {  	s3 =	sand.u32 $0x4000, s31;
	s1 =	sadd.s32 s1, s30  }
0x32: {  	s0 =	sor.u32 s3, s0;
	s1 =	sshll.u32 s1, $0x11  }
0x33: {  	s0 =	sor.u32 s1, s0  }
0x34: {  	s0 =	sadd.s32 $0x8F2B, s0  }
0x35: {  	[sflag:s0] =	ssyncadd.remote.s32 $0x1  }
0x36: {  	_ =	sfence.sel $0xFFFF  }
0x37: {  	[dreg:$0x0] =	wrdreg $0xFFFFFFFF;
	(pc) =	sbr.abs _section_cstart, $3  }
0x38: {  	[dreg:$0x1] =	wrdreg $0xFFFFFFFF  }
0x39: {  	_ =	task.clear_ibuf [dreg:s7], $0x2FFFF;
	_ =	strace $0x9FFFFFFF  }
0x3a: {  	(tm) =	ssettm $0x7FFFFFFF  }
0x3b: {  	_ =	shalt  }
tec
execute0_lowered:
.L_overlay_start_1:
0x0: {  	(tag) =	ssettag $0x1  }
0x1: {  	s0 =	srdreg.scid;
	s5 =	rddreg [dreg:$0x0]  }
0x2: {  	s3 =	rddreg [dreg:$0x1];
	s1 =	sshll.u32 s0, $0x4  }
0x3: {  	s7 =	simm.s32 $0x1;
	s0 =	stileid.u32;
	s1 =	sand.u32 $0x10, s1  }
0x4: {  	s8 =	simm.s32 $0x2;
	s15 =	simm.s32 $0x0;
	s1 =	sor.u32 s0, s1  }
0x5: {  	s14 =	simm.s32 $0x0;
	s9 =	simm.s32 $0x0;
	s2 =	sshll.u32 s1, $0x7  }
0x6: {  	s10 =	simm.s32 $0x0;
	s11 =	simm.s32 $0x0;
	s6 =	ssub.s32 $0x4000, s2  }
0x7: {  	s13 =	simm.s32 $0x0;
	s5 =	sadd.s32 $0x800, s5;
	s4 =	sand.u32 $0xF80, s6  }
.Ltmp0:
0x8: {  	s1 =	rddreg [dreg:$0x2];
	p0 =	sne.s32 s4, $0x0;
	(pc) =	sbr.rel .LBB1_1-.Ltmp0, $4  }
0x9: {  	_ =	strace $0x8000004A;
	s6 =	sshrl.u32 s6, $0xC;
	s7 =	simm.s32 @!p0 $0x0  }
0xa: {  	s12 =	smov.u32 s2;
	s4 =	simm.s32 $0x1;
	s6 =	sadd.s32 s7, s6  }
0xb: {  	[sflag:s4] =	ssyncpa.u1 $0x0;
	p0 =	por $0x0, $0x0;
	s6 =	sshll.u32 s6, $0x3  }
0xc: {  	[sflag:s8] =	ssyncpa.u1 $0x0;
	s8 =	simm.s32 $0x20000;
	s7 =	sor.u32 $0x1, s6  }
.LBB1_4:
0xd: {  	s20 =	sshra.s32 s20, $0x2  }
0xe: {  	s28 =	sand.u32 $0x78, s10;
	s21 =	sshll.u32 s9, $0xE;
	s22 =	sshll.u32 s10, $0x3  }
0xf: {  	s24 =	sshll.u32 s9, $0x7;
	p1 =	sgt.s32 s9, $0x368;
	s30 =	sshra.s32 s9, $0x1F  }
0x10: {  	s26 =	sshra.s32 s10, $0x1F;
	s19 =	sadd.s32 s20, s19;
	s21 =	sand.u32 $0xFFFE0000, s21  }
0x11: {  	v5 =	vld [tilespmem:s17+$0xFFFFFFD0];
	[tilespmem:s18+$0x2040 ss:$0x81] =	vst.msk $0xffff, v4;
	s23 =	sand.u32 $0xFFFFFC00, s22;
	s29 =	sand.u32 $0x380, s24;
	s22 =	sand.u32 $0x3C00, s22  }
0x12: {  	v58 =	vld [tilespmem:s17+$0xFFFFFFE0];
	[tilespmem:s18+$0x2850 ss:$0x81] =	vst.msk $0xffff, v3;
	s21 =	sadd.s32 s23, s21;
	s20 =	sor.u32 s28, s22;
	s22 =	smov.u32 s9  }
0x13: {  	v59 =	vld [tilespmem:s17+$0xFFFFFFF0];
	[tilespmem:s18+$0x3060 ss:$0x81] =	vst.msk $0xffff, v2;
	s24 =	sand.u32 s30, s9;
	s21 =	sshrl.u32 s21, $0xE;
	s22 =	simm.s32 @!p1 $0x368  }
0x14: {  	v60 =	vld [tilespmem:s17+$0x0];
	[tilespmem:s18+$0x0 ss:$0x81] =	vst.msk $0xffff, v1;
	p1 =	sgt.s32 s10, $0x3F80;
	s31 =	ssub.s32 s22, s24;
	s22 =	smov.u32 s10  }
0x15: {  	v61 =	vld [tilespmem:s17+$0x10];
	[tilespmem:s19+$0x3870 ss:$0x81] =	vst.msk $0xffff, v0;
	s25 =	smulhi.u32 $0x418938, s21;
	s24 =	sand.u32 s26, s10;
	s22 =	simm.s32 @!p1 $0x3F80  }
0x16: {  	v62 =	vld [tilespmem:s17+$0x20];
	s20 =	sor.u32 s29, s20;
	[tilespmem:s19+$0x810 ss:$0x81] =	vst.msk $0xffff, v5;
	s27 =	sadd.s32 $0xFFFFFC98, s31;
	s22 =	ssub.s32 s22, s24  }
0x17: {  	v63 =	vld [tilespmem:s17+$0xFFFFFFC0];
	[tilespmem:s19+$0x1020 ss:$0x81] =	vst.msk $0xffff, v58;
	s18 =	ssub.s32 $0x3E8, s31;
	s28 =	smul.u32 $0x3E8, s25;
	s29 =	sadd.s32 $0xFFFFC080, s22  }
0x18: {  	[tilespmem:s19+$0x1830 ss:$0x81] =	vst.msk $0xffff, v59;
	p1 =	sgt.s32 s27, $0x7F;
	s22 =	ssub.s32 $0x4000, s22;
	p2 =	sgt.s32 s29, $0x7F  }
0x19: {  	s30 =	sand.u32 $0x7, s10;
	[tilespmem:s19+$0x2040 ss:$0x81] =	vst.msk $0xffff, v60;
	s18 =	simm.s32 @p1 $0x0;
	s22 =	simm.s32 @p2 $0x0  }
0x1a: {  	s20 =	sshrl.u32 s20, $0x3;
	[tilespmem:s19+$0x2850 ss:$0x81] =	vst.msk $0xffff, v61;
	s17 =	ssub.s32 s21, s28;
	s18 =	smul.u32 s22, s18  }
0x1b: {  	[tilespmem:s19+$0x3060 ss:$0x81] =	vst.msk $0xffff, v62;
	s20 =	sadd.s32 s3, s20;
	s21 =	sshll.u32 s30, $0x12;
	s17 =	sshll.u32 s17, $0xB  }
0x1c: {  	[tilespmem:s19+$0x0 ss:$0x81] =	vst.msk $0xffff, v63;
	s31 =	sor.u32 $0x400, s21;
	s17 =	sadd.s32 s17, s20;
	s18 =	sand.u32 $0x3FFFFFFF, s18  }
0x1d: {  	[hbm4b:s17+s31] =	stream.strided.scatter [tilespmem:s16], [sflag:$0x2], s18, s8, s31, $0x20;
	[tilespmem:$0x10100] =	vst v63  }
.LBB1_5:
0x1e: {  	p1 =	slt.u32 s13, $0x2  }
0x1f: {  	s17 =	smov.u32 s15;
	p2 =	sgt.s32 @!p1 s15, $0x368;
	s16 =	sshra.s32 @!p1 s15, $0x1F  }
0x20: {  	p3 =	sgt.s32 @!p1 s14, $0x3F80;
	s18 =	sshra.s32 @!p1 s14, $0x1F;
	p2 =	por !p2, p1  }
0x21: {  	s15 =	sand.u32 @!p1 s16, s15;
	p3 =	por !p3, p1;
	s16 =	smov.u32 s14  }
0x22: {  	s14 =	sand.u32 @!p1 s18, s14;
	s17 =	simm.s32 @p2 $0x368;
	s16 =	simm.s32 @p3 $0x3F80  }
0x23: {  	s15 =	ssub.s32 @!p1 s17, s15;
	s14 =	ssub.s32 @!p1 s16, s14  }
0x24: {  	s18 =	smov.u32 s12;
	s16 =	sadd.s32 @!p1 $0xFFFFFC98, s15;
	s17 =	sadd.s32 @!p1 $0xFFFFC080, s14  }
0x25: {  	s15 =	ssub.s32 @!p1 $0x3E8, s15;
	p2 =	sgt.s32 @!p1 s16, $0x7F;
	p3 =	sgt.s32 @!p1 s17, $0x7F  }
0x26: {  	s14 =	ssub.s32 @!p1 $0x4000, s14;
	p2 =	por !p2, p1;
	p3 =	por !p3, p1  }
0x27: {  	s16 =	sadd.s32 $0x80, s11;
	s15 =	simm.s32 @!p2 $0x0;
	s14 =	simm.s32 @!p3 $0x0  }
0x28: {  	p2 =	sgt.s32 s16, $0x3E7;
	s14 =	smul.u32 @!p1 s14, s15;
	s15 =	sadd.s32 $0x1000, s12  }
0x29: {  	s18 =	smov.u32 @p2 s15  }
0x2a: {  	s16 =	simm.s32 @p2 $0x0;
	p2 =	sgt.s32 s18, $0x3FFF  }
0x2b: {  	s18 =	smov.u32 @p2 s2;
	p2 =	sne.s32 s13, s7  }
.Ltmp1:
0x2c: {  	p0 =	por !p0, !p0;
	s17 =	simm.s32 @!p1 $0x2;
	(pc) =	sbr.rel @!p2 .LBB1_6-.Ltmp1, $4  }
0x2d: {  	s15 =	smov.u32 s9;
	s9 =	smov.u32 s11;
	s14 =	sand.u32 @!p1 $0x3FFFFFFF, s14  }
0x2e: {  	s11 =	smov.u32 s16;
	_ =	swait.ge @!p1 [sflag:s17], s14;
	s19 =	ssub.s32 @!p1 $0x0, s14  }
0x2f: {  	s14 =	smov.u32 s10;
	s13 =	sadd.s32 $0x1, s13;
	[sflag:s17] =	ssyncset.done @!p1 $0x0  }
0x30: {  	s10 =	smov.u32 s12;
	s12 =	smov.u32 s18;
	[sflag:s17] =	ssyncadd.s32 @!p1 s19  }
.LBB1_1:
0x31: {  	p1 =	sge.u32 s13, s6  }
0x32: {  	s31 =	sadd.s32 $0xFFFFFFFF, s13;
	s16 =	sshll.u32 @!p1 s12, $0xA  }
0x33: {  	s17 =	sshll.u32 @!p1 s11, $0x3;
	s18 =	sshll.u32 @!p1 s12, $0x7;
	s16 =	sand.u32 @!p1 $0xFFE000, s16  }
0x34: {  	s19 =	sand.u32 @!p1 $0x78, s11;
	s16 =	sadd.s32 @!p1 s16, s17;
	s17 =	sand.u32 @!p1 $0x380, s18  }
0x35: {  	s18 =	sxor.u32 @!p1 $0xFFFFFFFF, s13;
	s16 =	sand.u32 @!p1 $0xFFFC00, s16;
	s17 =	sor.u32 @!p1 s17, s19  }
0x36: {  	s18 =	sshll.u32 @!p1 s18, $0xE;
	s16 =	sor.u32 @!p1 s16, s17;
	s17 =	sand.u32 @!p1 $0x7, s11  }
0x37: {  	s19 =	simm.s32 @!p1 $0x2000;
	s16 =	sshrl.u32 @!p1 s16, $0x3;
	s17 =	sshll.u32 @!p1 s17, $0x12  }
0x38: {  	s18 =	sand.u32 @!p1 $0x4000, s18;
	s16 =	sadd.s32 @!p1 s5, s16;
	s17 =	sor.u32 @!p1 $0x400, s17  }
0x39: {  	[tilespmem:s18], [sflag:$0x1] =	stream.strided.gather @!p1 [hbm4b:s16+s17], $0x4000, s19, s17, $0x38;
	[tilespmem:$0x10100] =	vst v63  }
0x3a: {  	p1 =	sge.u32 s31, s6  }
.Ltmp2:
0x3b: {  	_ = 	snop;
	(pc) =	sbr.rel @p1 .LBB1_5-.Ltmp2, $1  }
0x3c: {  	_ =	sdelay $0x3  }
0x3d: {  	s16 =	simm.s32 $0x1  }
0x3e: {  	_ =	swait.ge [sflag:s4], $0x4000;
	s16 =	simm.s32 @!p0 $0x0  }
0x3f: {  	[sflag:s4] =	ssyncset.done $0x0;
	s17 =	sshll.u32 s16, $0xE  }
0x40: {  	[sflag:s4] =	ssyncadd.s32 $0xFFFFC000;
	s17 =	sor.u32 $0x40, s17  }
0x41: {  	s16 =	smul.u32 $0x10200, s16;
	v0 =	vld [tilespmem:s17+$0x30]  }
0x42: {  	v1 =	vld [tilespmem:s17+$0xFFFFFFD0]  }
0x43: {  	s16 =	sshrl.u32 s16, $0x2;
	v5 =	vld [tilespmem:s17+$0xFFFFFFE0]  }
0x44: {  	v6 =	vld [tilespmem:s17+$0xFFFFFFF0];
	s19 =	sor.u32 $0x8000, s16  }
0x45: {  	s31 =	sand.u32 $0x1, s13;
	v4 =	vld [tilespmem:s17+$0x0];
	s18 =	sadd.s32 $0x0, s19  }
0x46: {  	v3 =	vld [tilespmem:s17+$0x10];
	s16 =	smul.u32 $0x10200, s31;
	[tilespmem:s18+$0x3870 ss:$0x81] =	vst.msk $0xffff, v0  }
0x47: {  	v2 =	vld [tilespmem:s17+$0x20];
	[tilespmem:s18+$0x810 ss:$0x81] =	vst.msk $0xffff, v1  }
0x48: {  	s16 =	sshrl.u32 s16, $0x2;
	v1 =	vld [tilespmem:s17+$0xFFFFFFC0];
	[tilespmem:s18+$0x1020 ss:$0x81] =	vst.msk $0xffff, v5;
	s17 =	sadd.s32 $0x80, s17  }
0x49: {  	s20 =	simm.s32 $0x4;
	s21 =	simm.s32 $0x8;
	s16 =	sor.u32 $0x8000, s16;
	[tilespmem:s18+$0x1830 ss:$0x81] =	vst.msk $0xffff, v6;
	v0 =	vld [tilespmem:s17+$0x30]  }
.LBB1_3:
0x4a: {  	p1 =	sne.s32 s21, $0x1FC;
	v5 =	vld [tilespmem:s17+$0xFFFFFFD0];
	[tilespmem:s18+$0x2040 ss:$0x81] =	vst.msk $0xffff, v4  }
0x4b: {  	v6 =	vld [tilespmem:s17+$0xFFFFFFE0];
	[tilespmem:s18+$0x2850 ss:$0x81] =	vst.msk $0xffff, v3  }
0x4c: {  	s22 =	sshra.s32 s20, $0x2;
	s20 =	smov.u32 s21;
	v7 =	vld [tilespmem:s17+$0xFFFFFFF0];
	[tilespmem:s18+$0x3060 ss:$0x81] =	vst.msk $0xffff, v2  }
.Ltmp3:
0x4d: {  	v4 =	vld [tilespmem:s17+$0x0];
	[tilespmem:s18+$0x0 ss:$0x81] =	vst.msk $0xffff, v1;
	s18 =	sadd.s32 s22, s19;
	(pc) =	sbr.rel @p1 .LBB1_3-.Ltmp3, $4  }
0x4e: {  	v3 =	vld [tilespmem:s17+$0x10];
	[tilespmem:s18+$0x3870 ss:$0x81] =	vst.msk $0xffff, v0  }
0x4f: {  	[tilespmem:s18+$0x810 ss:$0x81] =	vst.msk $0xffff, v5;
	v2 =	vld [tilespmem:s17+$0x20]  }
0x50: {  	v1 =	vld [tilespmem:s17+$0xFFFFFFC0];
	[tilespmem:s18+$0x1020 ss:$0x81] =	vst.msk $0xffff, v6;
	s17 =	sadd.s32 $0x80, s17  }
0x51: {  	s21 =	sadd.s32 $0x4, s21;
	v0 =	vld [tilespmem:s17+$0x30];
	[tilespmem:s18+$0x1830 ss:$0x81] =	vst.msk $0xffff, v7  }
.Ltmp4:
0x52: {  	_ = 	snop;
	(pc) =	sbr.rel .LBB1_4-.Ltmp4, $1  }
0x53: {  	_ =	sdelay $0x3  }
.LBB1_6:
0x54: {  	_ =	sfence.sel $0x180000  }
0x55: {  	s2 =	simm.s32 $0x1;
	[bflag:$0x0] =	sbarrier.arrive $0xFFFF  }
0x56: {  	s31 =	simm.s32 $0x2;
	[sflag:s2] =	ssyncpa.u1 $0x1  }
0x57: {  	[sflag:s31] =	ssyncpa.u1 $0x1  }
0x58: {  	p0 =	sne.s32 s0, $0x0;
	_ =	strace $0x9000004A  }
0x59: {  	s0 =	sadd.s32 @!p0 $0x100000, s1;
	[bflag:$0x2] =	sbarrier.arrive $0xFFFF  }
0x5a: {  	[sflag:s0] =	ssyncadd.tile.s32 @!p0 $0x1;
	_ =	shalt  }
.Lfunc_end1:
_tile_overlayer_lowered:
.L_overlay_start_2:
0x5b: {  	(tag) =	ssettag $0x2  }
0x5c: {  	s0 =	rddreg [dreg:$0x0];
	s2 =	stileid.u32  }
0x5d: {  	s1 =	rddreg [dreg:$0x1];
	p0 =	sne.s32 s2, $0x0  }
0x5e: {  	s3 =	rddreg [dreg:$0x2];
	[bflag:$0x3] =	sbarrier.arrive $0xFFFF;
	s2 =	simm.s32 @!p0 $0x1C01  }
0x5f: {  	[timem:s3], [sflag:s2] =	dma.local @!p0 [hbm:s0], s1  }
0x60: {  	s0 =	simm.s32 @!p0 $0x1  }
0x61: {  	_ =	swait.ge @!p0 [sflag:s0], s1  }
0x62: {  	s1 =	ssub.s32 @!p0 $0x0, s1;
	[sflag:s0] =	ssyncset.done @!p0 $0x0  }
0x63: {  	[sflag:s0] =	ssyncadd.s32 @!p0 s1  }
0x64: {  	[bflag:$0x3] =	sbarrier.arrive $0xFFFF  }
0x65: {  	_ =	shalt  }

</sc_bundles>
